<compile_context>
chip_gen: v7x
topology: tpu7x:2x2x1
jax: 0.10.2.dev20260603
libtpu: 0.0.44.dev20260713+nightly
codegen_flags: <defaults>
</compile_context>

<pallas_src>
import functools

import jax
import jax.numpy as jnp
from jax import lax
from jax.experimental import pallas as pl
from jax.experimental.pallas import tpu as pltpu
from jax.experimental.pallas import tpu_sc as plsc

VOCAB = 1000
EMBED = 64
B = 1024
S = 50

NC = 2
NS = 16
NW = NC * NS
NTOK = B * S
RPW = NTOK // NW


EPAD = 128
CHUNK = 400
NCHUNK = RPW // CHUNK


def _e_gather_body(tbl_hbm, idx_hbm, out_hbm, idx_v, rows0, rows1,
                   gsem0, gsem1, wsem0, wsem1):
    wid = lax.axis_index("s") * NC + lax.axis_index("c")
    base = wid * RPW
    pltpu.sync_copy(idx_hbm.at[pl.ds(base, RPW)], idx_v)

    rows = (rows0, rows1)
    gsem = (gsem0, gsem1)
    wsem = (wsem0, wsem1)

    def start_gather(c):
        return pltpu.async_copy(
            tbl_hbm.at[idx_v.at[pl.ds(c * CHUNK, CHUNK)]],
            rows[c % 2], gsem[c % 2])

    def start_write(c):
        return pltpu.async_copy(
            rows[c % 2], out_hbm.at[pl.ds(base + c * CHUNK, CHUNK)],
            wsem[c % 2])

    gathers = [None] * NCHUNK
    writes = [None] * NCHUNK
    gathers[0] = start_gather(0)
    for c in range(NCHUNK):
        gathers[c].wait()
        if c + 1 < NCHUNK:
            if c >= 1:
                writes[c - 1].wait()
            gathers[c + 1] = start_gather(c + 1)
        writes[c] = start_write(c)
    writes[NCHUNK - 1].wait()


_e_gather = functools.partial(
    pl.kernel,
    out_type=jax.ShapeDtypeStruct((NTOK, EPAD), jnp.float32),
    mesh=plsc.VectorSubcoreMesh(core_axis_name="c", subcore_axis_name="s",
                                num_cores=NC, num_subcores=NS),
    scratch_types=[
        pltpu.VMEM((RPW,), jnp.int32),
        pltpu.VMEM((CHUNK, EPAD), jnp.float32),
        pltpu.VMEM((CHUNK, EPAD), jnp.float32),
        pltpu.SemaphoreType.DMA,
        pltpu.SemaphoreType.DMA,
        pltpu.SemaphoreType.DMA,
        pltpu.SemaphoreType.DMA,
    ],
    compiler_params=pltpu.CompilerParams(use_tc_tiling_on_sc=True),
)(_e_gather_body)


def _proj_body(w_ref, e_ref, o_ref):
    o_ref[0] = lax.dot_general(
        w_ref[...], e_ref[0, :, :EMBED],
        dimension_numbers=(((1,), (1,)), ((), ())),
        preferred_element_type=jnp.float32,
    )


def _project(head_weight, e_sb):
    return pl.pallas_call(
        _proj_body,
        grid=(S,),
        in_specs=[
            pl.BlockSpec((VOCAB, EMBED), lambda s: (0, 0)),
            pl.BlockSpec((1, B, EPAD), lambda s: (s, 0, 0)),
        ],
        out_specs=pl.BlockSpec((1, VOCAB, B), lambda s: (s, 0, 0)),
        out_shape=jax.ShapeDtypeStruct((S, VOCAB, B), jnp.float32),
    )(head_weight, e_sb)


def kernel(x, embed_table, head_weight):
    xt = x.T.reshape(NTOK)
    tbl_pad = jnp.zeros((VOCAB, EPAD), jnp.float32).at[:, :EMBED].set(
        embed_table)
    e_flat = _e_gather(tbl_pad, xt)
    e_sb = e_flat.reshape(S, B, EPAD)
    out_svb = _project(head_weight, e_sb)
    return out_svb.transpose(2, 0, 1)

# --- scband reference (transcript-rebuilt; emitter-appended) ---
"""Pipeline reference for scband-tiny-model-42683384988255 (READ-ONLY COPY).

The authoritative reference and input builder live on the scoring server;
editing this copy changes nothing except your own understanding.
"""

import jax, jax.numpy as jnp
import numpy as np

VOCAB = 1000
EMBED = 64
B = 1024
S = 50


def setup_inputs(seed: int = 0) -> dict:
    key = jax.random.key(seed)
    k1, k2, k3 = jax.random.split(key, 3)
    x = jax.random.randint(k1, (B, S), 0, VOCAB, dtype=jnp.int32)
    # nn.Embedding default init: N(0, 1)
    embed_table = jax.random.normal(k2, (VOCAB, EMBED), dtype=jnp.float32)
    # nn.Linear(embed_dim, vocab_size, bias=False): weight shape [vocab, embed]
    bound = 1.0 / np.sqrt(EMBED)
    head_weight = jax.random.uniform(k3, (VOCAB, EMBED), dtype=jnp.float32, minval=-bound, maxval=bound)
    return {"x": x, "embed_table": embed_table, "head_weight": head_weight}


def reference(x, embed_table, head_weight):
    # embedding lookup: gather rows of the table
    e = jnp.take(embed_table, x, axis=0)            # [B, S, EMBED]
    # linear head (no bias): logits [B, S, VOCAB]
    logits = jnp.einsum("bse,ve->bsv", e, head_weight)
    return logits

if __name__ == "__main__":
    import jax
    _d = setup_inputs()
    print(jax.jit(kernel)(*tuple(_d.values())))

</pallas_src>

<mosaic_0001>
#map = affine_map<(d0, d1) -> (0, 0)>
#map1 = affine_map<(d0, d1) -> (0)>
module attributes {stable_mosaic.version = 14 : i64} {
  func.func @_e_gather_body(%arg0: i32, %arg1: i32, %arg2: memref<1000x128xf32, #tpu.memory_space<hbm>>, %arg3: memref<51200xi32, #tpu.memory_space<hbm>>, %arg4: memref<51200x128xf32, #tpu.memory_space<hbm>>, %arg5: memref<1600xi32, #tpu.memory_space<vmem>>, %arg6: memref<400x128xf32, #tpu.memory_space<vmem>>, %arg7: memref<400x128xf32, #tpu.memory_space<vmem>>, %arg8: memref<!tpu.dma_semaphore, #tpu.memory_space<semaphore_mem>>, %arg9: memref<!tpu.dma_semaphore, #tpu.memory_space<semaphore_mem>>, %arg10: memref<!tpu.dma_semaphore, #tpu.memory_space<semaphore_mem>>, %arg11: memref<!tpu.dma_semaphore, #tpu.memory_space<semaphore_mem>>) attributes {dimension_semantics = [#tpu.dimension_semantics<core_parallel>, #tpu.dimension_semantics<subcore_parallel>], iteration_bounds = array<i64: 2, 16>, scalar_prefetch = 0 : i64, scratch_operands = 7 : i64, tpu.core_type = #tpu.core_type<sc_vector_subcore>, window_params = [{transform_indices = #map}, {transform_indices = #map1}, {transform_indices = #map}]} {
    %mul3A = arith.constant 2 : i32
    %mul3A_0 = arith.muli %arg1, %mul3A : i32
    %add3A = arith.addi %mul3A_0, %arg0 : i32
    %mul3A_1 = arith.constant 1600 : i32
    %mul3A_2 = arith.muli %add3A, %mul3A_1 : i32
    "tpu.region"() ({
      %run_scoped3A = tpu.sem_alloc : memref<!tpu.dma_semaphore, #tpu.memory_space<semaphore_mem>>
      %dma_start3A_77 = tpu.memref_slice %arg3[%mul3A_2] : memref<51200xi32, #tpu.memory_space<hbm>> -> memref<1600xi32, #tpu.memory_space<hbm>>
      %dma_start3A_78 = tpu.memref_slice %arg3[%mul3A_2] : memref<51200xi32, #tpu.memory_space<hbm>> -> memref<1600xi32, #tpu.memory_space<hbm>>
      tpu.enqueue_dma source(%dma_start3A_78 : memref<1600xi32, #tpu.memory_space<hbm>>) target(%arg5 : memref<1600xi32, #tpu.memory_space<vmem>>) target_semaphore(%run_scoped3A : memref<!tpu.dma_semaphore, #tpu.memory_space<semaphore_mem>>)
      %dma_wait3A_79 = tpu.memref_slice %arg3[%mul3A_2] : memref<51200xi32, #tpu.memory_space<hbm>> -> memref<1600xi32, #tpu.memory_space<hbm>>
      %dma_wait3A_80 = tpu.memref_slice %arg3[%mul3A_2] : memref<51200xi32, #tpu.memory_space<hbm>> -> memref<1600xi32, #tpu.memory_space<hbm>>
      tpu.wait_dma2 semaphore(%run_scoped3A : memref<!tpu.dma_semaphore, #tpu.memory_space<semaphore_mem>>) src(%dma_wait3A_80 : memref<1600xi32, #tpu.memory_space<hbm>>) dst(%arg5 : memref<1600xi32, #tpu.memory_space<vmem>>)
      tpu.yield
    }) : () -> ()
    %dma_start3A = arith.constant 0 : i32
    %dma_start3A_3 = tpu.memref_slice %arg5[%dma_start3A] : memref<1600xi32, #tpu.memory_space<vmem>> -> memref<400xi32, #tpu.memory_space<vmem>>
    %dma_start3A_4 = arith.constant 0 : i32
    %dma_start3A_5 = arith.constant 0 : i32
    %dma_start3A_6 = tpu.memref_slice %arg2[%dma_start3A_4, %dma_start3A_5] : memref<1000x128xf32, #tpu.memory_space<hbm>> -> memref<1000x128xf32, #tpu.memory_space<hbm>>
    tpu.enqueue_indirect_dma source(%dma_start3A_6 : memref<1000x128xf32, #tpu.memory_space<hbm>>) target(%arg6 : memref<400x128xf32, #tpu.memory_space<vmem>>) offsets(%dma_start3A_3 : memref<400xi32, #tpu.memory_space<vmem>>) semaphore(%arg8 : memref<!tpu.dma_semaphore, #tpu.memory_space<semaphore_mem>>)
    %dma_wait3A = arith.constant 0 : i32
    %dma_wait3A_7 = tpu.memref_slice %arg5[%dma_wait3A] : memref<1600xi32, #tpu.memory_space<vmem>> -> memref<400xi32, #tpu.memory_space<vmem>>
    %dma_wait3A_8 = arith.constant 0 : i32
    %dma_wait3A_9 = arith.constant 0 : i32
    %dma_wait3A_10 = tpu.memref_slice %arg2[%dma_wait3A_8, %dma_wait3A_9] : memref<1000x128xf32, #tpu.memory_space<hbm>> -> memref<1000x128xf32, #tpu.memory_space<hbm>>
    tpu.wait_indirect_dma semaphore(%arg8 : memref<!tpu.dma_semaphore, #tpu.memory_space<semaphore_mem>>) src(%dma_wait3A_10 : memref<1000x128xf32, #tpu.memory_space<hbm>>) dst(%arg6 : memref<400x128xf32, #tpu.memory_space<vmem>>)
    %dma_start3A_11 = arith.constant 400 : i32
    %dma_start3A_12 = tpu.memref_slice %arg5[%dma_start3A_11] : memref<1600xi32, #tpu.memory_space<vmem>> -> memref<400xi32, #tpu.memory_space<vmem>>
    %dma_start3A_13 = arith.constant 0 : i32
    %dma_start3A_14 = arith.constant 0 : i32
    %dma_start3A_15 = tpu.memref_slice %arg2[%dma_start3A_13, %dma_start3A_14] : memref<1000x128xf32, #tpu.memory_space<hbm>> -> memref<1000x128xf32, #tpu.memory_space<hbm>>
    tpu.enqueue_indirect_dma source(%dma_start3A_15 : memref<1000x128xf32, #tpu.memory_space<hbm>>) target(%arg7 : memref<400x128xf32, #tpu.memory_space<vmem>>) offsets(%dma_start3A_12 : memref<400xi32, #tpu.memory_space<vmem>>) semaphore(%arg9 : memref<!tpu.dma_semaphore, #tpu.memory_space<semaphore_mem>>)
    %add3A_16 = arith.constant 0 : i32
    %add3A_17 = arith.addi %mul3A_2, %add3A_16 : i32
    %dma_start3A_18 = arith.constant 0 : i32
    %dma_start3A_19 = tpu.memref_slice %arg4[%add3A_17, %dma_start3A_18] : memref<51200x128xf32, #tpu.memory_space<hbm>> -> memref<400x128xf32, #tpu.memory_space<hbm>>
    %dma_start3A_20 = arith.constant 0 : i32
    %dma_start3A_21 = tpu.memref_slice %arg4[%add3A_17, %dma_start3A_20] : memref<51200x128xf32, #tpu.memory_space<hbm>> -> memref<400x128xf32, #tpu.memory_space<hbm>>
    tpu.enqueue_dma source(%arg6 : memref<400x128xf32, #tpu.memory_space<vmem>>) target(%dma_start3A_21 : memref<400x128xf32, #tpu.memory_space<hbm>>) target_semaphore(%arg10 : memref<!tpu.dma_semaphore, #tpu.memory_space<semaphore_mem>>)
    %dma_wait3A_22 = arith.constant 400 : i32
    %dma_wait3A_23 = tpu.memref_slice %arg5[%dma_wait3A_22] : memref<1600xi32, #tpu.memory_space<vmem>> -> memref<400xi32, #tpu.memory_space<vmem>>
    %dma_wait3A_24 = arith.constant 0 : i32
    %dma_wait3A_25 = arith.constant 0 : i32
    %dma_wait3A_26 = tpu.memref_slice %arg2[%dma_wait3A_24, %dma_wait3A_25] : memref<1000x128xf32, #tpu.memory_space<hbm>> -> memref<1000x128xf32, #tpu.memory_space<hbm>>
    tpu.wait_indirect_dma semaphore(%arg9 : memref<!tpu.dma_semaphore, #tpu.memory_space<semaphore_mem>>) src(%dma_wait3A_26 : memref<1000x128xf32, #tpu.memory_space<hbm>>) dst(%arg7 : memref<400x128xf32, #tpu.memory_space<vmem>>)
    %dma_wait3A_27 = arith.constant 0 : i32
    %dma_wait3A_28 = tpu.memref_slice %arg4[%add3A_17, %dma_wait3A_27] : memref<51200x128xf32, #tpu.memory_space<hbm>> -> memref<400x128xf32, #tpu.memory_space<hbm>>
    %dma_wait3A_29 = arith.constant 0 : i32
    %dma_wait3A_30 = tpu.memref_slice %arg4[%add3A_17, %dma_wait3A_29] : memref<51200x128xf32, #tpu.memory_space<hbm>> -> memref<400x128xf32, #tpu.memory_space<hbm>>
    tpu.wait_dma2 semaphore(%arg10 : memref<!tpu.dma_semaphore, #tpu.memory_space<semaphore_mem>>) src(%arg6 : memref<400x128xf32, #tpu.memory_space<vmem>>) dst(%dma_wait3A_30 : memref<400x128xf32, #tpu.memory_space<hbm>>)
    %dma_start3A_31 = arith.constant 800 : i32
    %dma_start3A_32 = tpu.memref_slice %arg5[%dma_start3A_31] : memref<1600xi32, #tpu.memory_space<vmem>> -> memref<400xi32, #tpu.memory_space<vmem>>
    %dma_start3A_33 = arith.constant 0 : i32
    %dma_start3A_34 = arith.constant 0 : i32
    %dma_start3A_35 = tpu.memref_slice %arg2[%dma_start3A_33, %dma_start3A_34] : memref<1000x128xf32, #tpu.memory_space<hbm>> -> memref<1000x128xf32, #tpu.memory_space<hbm>>
    tpu.enqueue_indirect_dma source(%dma_start3A_35 : memref<1000x128xf32, #tpu.memory_space<hbm>>) target(%arg6 : memref<400x128xf32, #tpu.memory_space<vmem>>) offsets(%dma_start3A_32 : memref<400xi32, #tpu.memory_space<vmem>>) semaphore(%arg8 : memref<!tpu.dma_semaphore, #tpu.memory_space<semaphore_mem>>)
    %add3A_36 = arith.constant 400 : i32
    %add3A_37 = arith.addi %mul3A_2, %add3A_36 : i32
    %dma_start3A_38 = arith.constant 0 : i32
    %dma_start3A_39 = tpu.memref_slice %arg4[%add3A_37, %dma_start3A_38] : memref<51200x128xf32, #tpu.memory_space<hbm>> -> memref<400x128xf32, #tpu.memory_space<hbm>>
    %dma_start3A_40 = arith.constant 0 : i32
    %dma_start3A_41 = tpu.memref_slice %arg4[%add3A_37, %dma_start3A_40] : memref<51200x128xf32, #tpu.memory_space<hbm>> -> memref<400x128xf32, #tpu.memory_space<hbm>>
    tpu.enqueue_dma source(%arg7 : memref<400x128xf32, #tpu.memory_space<vmem>>) target(%dma_start3A_41 : memref<400x128xf32, #tpu.memory_space<hbm>>) target_semaphore(%arg11 : memref<!tpu.dma_semaphore, #tpu.memory_space<semaphore_mem>>)
    %dma_wait3A_42 = arith.constant 800 : i32
    %dma_wait3A_43 = tpu.memref_slice %arg5[%dma_wait3A_42] : memref<1600xi32, #tpu.memory_space<vmem>> -> memref<400xi32, #tpu.memory_space<vmem>>
    %dma_wait3A_44 = arith.constant 0 : i32
    %dma_wait3A_45 = arith.constant 0 : i32
    %dma_wait3A_46 = tpu.memref_slice %arg2[%dma_wait3A_44, %dma_wait3A_45] : memref<1000x128xf32, #tpu.memory_space<hbm>> -> memref<1000x128xf32, #tpu.memory_space<hbm>>
    tpu.wait_indirect_dma semaphore(%arg8 : memref<!tpu.dma_semaphore, #tpu.memory_space<semaphore_mem>>) src(%dma_wait3A_46 : memref<1000x128xf32, #tpu.memory_space<hbm>>) dst(%arg6 : memref<400x128xf32, #tpu.memory_space<vmem>>)
    %dma_wait3A_47 = arith.constant 0 : i32
    %dma_wait3A_48 = tpu.memref_slice %arg4[%add3A_37, %dma_wait3A_47] : memref<51200x128xf32, #tpu.memory_space<hbm>> -> memref<400x128xf32, #tpu.memory_space<hbm>>
    %dma_wait3A_49 = arith.constant 0 : i32
    %dma_wait3A_50 = tpu.memref_slice %arg4[%add3A_37, %dma_wait3A_49] : memref<51200x128xf32, #tpu.memory_space<hbm>> -> memref<400x128xf32, #tpu.memory_space<hbm>>
    tpu.wait_dma2 semaphore(%arg11 : memref<!tpu.dma_semaphore, #tpu.memory_space<semaphore_mem>>) src(%arg7 : memref<400x128xf32, #tpu.memory_space<vmem>>) dst(%dma_wait3A_50 : memref<400x128xf32, #tpu.memory_space<hbm>>)
    %dma_start3A_51 = arith.constant 1200 : i32
    %dma_start3A_52 = tpu.memref_slice %arg5[%dma_start3A_51] : memref<1600xi32, #tpu.memory_space<vmem>> -> memref<400xi32, #tpu.memory_space<vmem>>
    %dma_start3A_53 = arith.constant 0 : i32
    %dma_start3A_54 = arith.constant 0 : i32
    %dma_start3A_55 = tpu.memref_slice %arg2[%dma_start3A_53, %dma_start3A_54] : memref<1000x128xf32, #tpu.memory_space<hbm>> -> memref<1000x128xf32, #tpu.memory_space<hbm>>
    tpu.enqueue_indirect_dma source(%dma_start3A_55 : memref<1000x128xf32, #tpu.memory_space<hbm>>) target(%arg7 : memref<400x128xf32, #tpu.memory_space<vmem>>) offsets(%dma_start3A_52 : memref<400xi32, #tpu.memory_space<vmem>>) semaphore(%arg9 : memref<!tpu.dma_semaphore, #tpu.memory_space<semaphore_mem>>)
    %add3A_56 = arith.constant 800 : i32
    %add3A_57 = arith.addi %mul3A_2, %add3A_56 : i32
    %dma_start3A_58 = arith.constant 0 : i32
    %dma_start3A_59 = tpu.memref_slice %arg4[%add3A_57, %dma_start3A_58] : memref<51200x128xf32, #tpu.memory_space<hbm>> -> memref<400x128xf32, #tpu.memory_space<hbm>>
    %dma_start3A_60 = arith.constant 0 : i32
    %dma_start3A_61 = tpu.memref_slice %arg4[%add3A_57, %dma_start3A_60] : memref<51200x128xf32, #tpu.memory_space<hbm>> -> memref<400x128xf32, #tpu.memory_space<hbm>>
    tpu.enqueue_dma source(%arg6 : memref<400x128xf32, #tpu.memory_space<vmem>>) target(%dma_start3A_61 : memref<400x128xf32, #tpu.memory_space<hbm>>) target_semaphore(%arg10 : memref<!tpu.dma_semaphore, #tpu.memory_space<semaphore_mem>>)
    %dma_wait3A_62 = arith.constant 1200 : i32
    %dma_wait3A_63 = tpu.memref_slice %arg5[%dma_wait3A_62] : memref<1600xi32, #tpu.memory_space<vmem>> -> memref<400xi32, #tpu.memory_space<vmem>>
    %dma_wait3A_64 = arith.constant 0 : i32
    %dma_wait3A_65 = arith.constant 0 : i32
    %dma_wait3A_66 = tpu.memref_slice %arg2[%dma_wait3A_64, %dma_wait3A_65] : memref<1000x128xf32, #tpu.memory_space<hbm>> -> memref<1000x128xf32, #tpu.memory_space<hbm>>
    tpu.wait_indirect_dma semaphore(%arg9 : memref<!tpu.dma_semaphore, #tpu.memory_space<semaphore_mem>>) src(%dma_wait3A_66 : memref<1000x128xf32, #tpu.memory_space<hbm>>) dst(%arg7 : memref<400x128xf32, #tpu.memory_space<vmem>>)
    %add3A_67 = arith.constant 1200 : i32
    %add3A_68 = arith.addi %mul3A_2, %add3A_67 : i32
    %dma_start3A_69 = arith.constant 0 : i32
    %dma_start3A_70 = tpu.memref_slice %arg4[%add3A_68, %dma_start3A_69] : memref<51200x128xf32, #tpu.memory_space<hbm>> -> memref<400x128xf32, #tpu.memory_space<hbm>>
    %dma_start3A_71 = arith.constant 0 : i32
    %dma_start3A_72 = tpu.memref_slice %arg4[%add3A_68, %dma_start3A_71] : memref<51200x128xf32, #tpu.memory_space<hbm>> -> memref<400x128xf32, #tpu.memory_space<hbm>>
    tpu.enqueue_dma source(%arg7 : memref<400x128xf32, #tpu.memory_space<vmem>>) target(%dma_start3A_72 : memref<400x128xf32, #tpu.memory_space<hbm>>) target_semaphore(%arg11 : memref<!tpu.dma_semaphore, #tpu.memory_space<semaphore_mem>>)
    %dma_wait3A_73 = arith.constant 0 : i32
    %dma_wait3A_74 = tpu.memref_slice %arg4[%add3A_68, %dma_wait3A_73] : memref<51200x128xf32, #tpu.memory_space<hbm>> -> memref<400x128xf32, #tpu.memory_space<hbm>>
    %dma_wait3A_75 = arith.constant 0 : i32
    %dma_wait3A_76 = tpu.memref_slice %arg4[%add3A_68, %dma_wait3A_75] : memref<51200x128xf32, #tpu.memory_space<hbm>> -> memref<400x128xf32, #tpu.memory_space<hbm>>
    tpu.wait_dma2 semaphore(%arg11 : memref<!tpu.dma_semaphore, #tpu.memory_space<semaphore_mem>>) src(%arg7 : memref<400x128xf32, #tpu.memory_space<vmem>>) dst(%dma_wait3A_76 : memref<400x128xf32, #tpu.memory_space<hbm>>)
    return
  }
}

module attributes {stable_mosaic.version = 14 : i64} {
  func.func @_proj_body(%arg0: i32, %arg1: memref<1000x64xf32, #tpu.memory_space<vmem>>, %arg2: memref<1x1024x128xf32, #tpu.memory_space<vmem>>, %arg3: memref<1x1000x1024xf32, #tpu.memory_space<vmem>>) attributes {dimension_semantics = [#tpu.dimension_semantics<arbitrary>], iteration_bounds = array<i64: 50>, scalar_prefetch = 0 : i64, scratch_operands = 0 : i64, tpu.core_type = #tpu.core_type<tc>, window_params = [{pipeline_mode = #tpu.pipeline_mode<synchronous>, transform_indices = @transform_0, window_bounds = array<i64: 1000, 64>}, {transform_indices = @transform_1, window_bounds = array<i64: 1, 1024, 128>}, {transform_indices = @transform_2, window_bounds = array<i64: 1, 1000, 1024>}]} {
    %get3A = arith.constant 0 : index
    %get3A_0 = arith.constant 0 : index
    %get3A_1 = vector.load %arg1[%get3A, %get3A_0] : memref<1000x64xf32, #tpu.memory_space<vmem>>, vector<1000x64xf32>
    %get3A_2 = arith.constant 0 : index
    %get3A_3 = arith.constant 0 : index
    %get3A_4 = arith.constant 0 : index
    %get3A_5 = vector.load %arg2[%get3A_2, %get3A_3, %get3A_4] : memref<1x1024x128xf32, #tpu.memory_space<vmem>>, vector<1x1024x64xf32>
    %get3A_6 = vector.shape_cast %get3A_5 : vector<1x1024x64xf32> to vector<1024x64xf32>
    %dot_general3A = arith.constant dense<0.000000e+00> : vector<1000x1024xf32>
    %dot_general3A_7 = tpu.matmul %get3A_1, %get3A_6, %dot_general3A {dimension_numbers = #tpu.dot_dimension_numbers<[1], [1], [0], [0], [0, 0, 1, 0], [], []>, transpose_lhs_hint = false} : vector<1000x64xf32>, vector<1024x64xf32>, vector<1000x1024xf32> -> vector<1000x1024xf32>
    %swap3A = arith.constant 0 : index
    %swap3A_8 = arith.constant 0 : index
    %swap3A_9 = arith.constant 0 : index
    %swap3A_10 = vector.load %arg3[%swap3A, %swap3A_8, %swap3A_9] : memref<1x1000x1024xf32, #tpu.memory_space<vmem>>, vector<1x1000x1024xf32>
    %swap3A_11 = vector.shape_cast %swap3A_10 : vector<1x1000x1024xf32> to vector<1000x1024xf32>
    %swap3A_12 = vector.shape_cast %dot_general3A_7 : vector<1000x1024xf32> to vector<1x1000x1024xf32>
    tpu.vector_store %arg3[%swap3A, %swap3A_8, %swap3A_9], %swap3A_12 {strides = array<i32>} : memref<1x1000x1024xf32, #tpu.memory_space<vmem>>, vector<1x1000x1024xf32>,
    return
  }
  func.func @transform_0(%arg0: i32) -> (i32, i32) {
    %c0_i32 = arith.constant 0 : i32
    %c0_i32_0 = arith.constant 0 : i32
    %c0_i32_1 = arith.constant 0 : i32
    return %c0_i32, %c0_i32_0 : i32, i32
  }
  func.func @transform_1(%arg0: i32) -> (i32, i32, i32) {
    %c0_i32 = arith.constant 0 : i32
    %c0_i32_0 = arith.constant 0 : i32
    %c0_i32_1 = arith.constant 0 : i32
    return %arg0, %c0_i32, %c0_i32_0 : i32, i32, i32
  }
  func.func @transform_2(%arg0: i32) -> (i32, i32, i32) {
    %c0_i32 = arith.constant 0 : i32
    %c0_i32_0 = arith.constant 0 : i32
    %c0_i32_1 = arith.constant 0 : i32
    return %arg0, %c0_i32, %c0_i32_0 : i32, i32, i32
  }
}

</mosaic_0001>

<sc_bundles>
// kernel: kernel.4.cloned.1.call-start
scs
__scs_entry_jumppad:
0x0: {  	(pc) =	sbr.rel $0x88, $3  }
0x1: {  	(tag) =	ssettag $0x0;
	lr =	simm.s32 $0x1  }
0x2: {  	[smem:$0x3F9E] =	sst lr;
	_ =	strace $0xD0000000  }
0x3: {  	_ = 	snop  }
0x4: {  	_ = 	snop  }
0x5: {  	_ = 	snop  }
0x6: {  	_ = 	snop  }
0x7: {  	_ = 	snop  }
__scs_overlays_trampoline_lowered:
0x8: {  	[smem:$0x3FAD] =	sst s0  }
0x9: {  	[smem:$0x3FAE] =	sst s1  }
0xa: {  	[smem:$0x3FAF] =	sst s2  }
0xb: {  	[smem:$0x3FB0] =	sst s3  }
0xc: {  	[smem:$0x3FB1] =	sst s4  }
0xd: {  	[smem:$0x3FB2] =	sst s5  }
0xe: {  	[smem:$0x3FB3] =	sst s6  }
0xf: {  	[smem:$0x3FB4] =	sst s7  }
0x10: {  	[smem:$0x3FB5] =	sst s8  }
0x11: {  	[smem:$0x3FB6] =	sst s9;
	s0 =	simm.s32 @!p0 $0x0  }
0x12: {  	s1 =	sld [smem:$0x3F9C];
	s0 =	simm.s32 @p0 $0x1  }
0x13: {  	[smem:$0x3FB7] =	sst s0;
	s0 =	simm.s32 @!p1 $0x0  }
0x14: {  	s2 =	sld [smem:$0x3F9B];
	s0 =	simm.s32 @p1 $0x1  }
0x15: {  	[smem:$0x3FB8] =	sst s0;
	s0 =	simm.s32 @!p2 $0x0  }
0x16: {  	s3 =	sld [smem:$0x3FDB];
	s0 =	simm.s32 @p2 $0x1  }
0x17: {  	s4 =	simm.s32 $0x1BF5;
	[smem:$0x3FBA] =	sst s0  }
0x18: {  	s0 =	sld [smem:$0x3F9D];
	_ =	swait.ge [sflag:s4], $0x0  }
0x19: {  	s7 =	sld [smem:$0x3F9E]  }
0x1a: {  	s8 =	sadd.s32 $0xFFFFE003, lr  }
0x1b: {  	s9 =	sadd.s32 $0xFFFFFEF7, lr;
	s5 =	simm.s32 $0xFFFFFFFF;
	p2 =	slt.u32 s8, $0xFFFFF086  }
0x1c: {  	p1 =	slt.u32 s9, $0xF7A;
	s5 =	simm.s32 @!p2 $0x0  }
0x1d: {  	s5 =	simm.s32 @p1 $0x1;
	p0 =	seq.s32 s7, s2  }
0x1e: {  	s7 =	smul.u32 @!p0 $0xF7A, s2;
	p2 =	seq.s32 @!p0 s5, $0x0  }
0x1f: {  	s9 =	smul.u32 $0xF7A, s1;
	s8 =	simm.s32 @!p0 $0x1BF5;
	p2 =	por !p2, p0  }
0x20: {  	[sflag:s8] =	ssyncset.s32 @!p0 $0xFFFFF086;
	s6 =	sadd.s32 @!p0 s3, s7;
	s7 =	simm.s32 @!p0 $0x108  }
0x21: {  	s3 =	sadd.s32 s3, s9;
	s6 =	sadd.s32 @!p0 $0x88, s6;
	s7 =	simm.s32 @p2 $0x1082  }
0x22: {  	[simem:s7], [sflag:s8] =	dma.local @!p0 [hbm:s6], $0xF7A  }
0x23: {  	s9 =	sor.u32 $0xD0000000, s2;
	s6 =	simm.s32 $0x108;
	_ =	swait.ge @!p0 [sflag:s8], $0x0  }
0x24: {  	s3 =	sadd.s32 $0x88, s3;
	s6 =	simm.s32 @!p1 $0x1082;
	[sflag:s4] =	ssyncset.s32 $0xFFFFF086  }
0x25: {  	[simem:s6], [sflag:s4] =	dma.local [hbm:s3], $0xF7A  }
0x26: {  	[smem:$0x3F9E] =	sst s1;
	(tag) =	ssettag s2;
	_ =	strace s9  }
0x27: {  	s1 =	sld [smem:$0x3FAE]  }
0x28: {  	s2 =	sld [smem:$0x3FAF]  }
0x29: {  	s4 =	sld [smem:$0x3FB1]  }
0x2a: {  	p0 =	seq.s32 s5, $0x0;
	s5 =	sld [smem:$0x3FB2]  }
0x2b: {  	s6 =	sld [smem:$0x3FB3]  }
0x2c: {  	s7 =	sld [smem:$0x3FB4]  }
0x2d: {  	s3 =	simm.s32 $0x108;
	s8 =	sld [smem:$0x3FB5]  }
0x2e: {  	s3 =	simm.s32 @!p0 $0x1082;
	s9 =	sld [smem:$0x3FB6]  }
0x2f: {  	lr =	sadd.s32 s0, s3;
	s0 =	sld [smem:$0x3FAD]  }
0x30: {  	s3 =	sld [smem:$0x3FB0]  }
0x31: {  	[smem:$0x3FB9] =	sst s10  }
0x32: {  	s10 =	sld [smem:$0x3FB7];
	_ =	sdelay $0x3  }
0x33: {  	p0 =	seq.s32 s10, $0x1;
	s10 =	sld [smem:$0x3FB9];
	_ =	sdelay $0x3  }
0x34: {  	[smem:$0x3FB9] =	sst s10  }
0x35: {  	s10 =	sld [smem:$0x3FB8];
	_ =	sdelay $0x3  }
0x36: {  	p1 =	seq.s32 s10, $0x1;
	s10 =	sld [smem:$0x3FB9];
	_ =	sdelay $0x3  }
0x37: {  	[smem:$0x3FB9] =	sst s10  }
0x38: {  	s10 =	sld [smem:$0x3FBA]  }
0x39: {  	_ = 	snop;
	(pc) =	sbr.ind lr, $3  }
0x3a: {  	_ = 	snop  }
0x3b: {  	_ = 	snop  }
0x3c: {  	p2 =	seq.s32 s10, $0x1;
	s10 =	sld [smem:$0x3FB9]  }
0x3d: {  	_ =	shalt  }
0x3e: {  	_ =	shalt  }
0x3f: {  	_ =	shalt  }
0x40: {  	_ =	shalt  }
0x41: {  	_ =	shalt  }
0x42: {  	_ =	shalt  }
0x43: {  	_ =	shalt  }
0x44: {  	_ =	shalt  }
0x45: {  	_ =	shalt  }
0x46: {  	_ =	shalt  }
0x47: {  	_ =	shalt  }
0x48: {  	_ =	shalt  }
0x49: {  	_ =	shalt  }
0x4a: {  	_ =	shalt  }
0x4b: {  	_ =	shalt  }
0x4c: {  	_ =	shalt  }
0x4d: {  	_ =	shalt  }
0x4e: {  	_ =	shalt  }
0x4f: {  	_ =	shalt  }
0x50: {  	_ =	shalt  }
0x51: {  	_ =	shalt  }
0x52: {  	_ =	shalt  }
0x53: {  	_ =	shalt  }
0x54: {  	_ =	shalt  }
0x55: {  	_ =	shalt  }
0x56: {  	_ =	shalt  }
0x57: {  	_ =	shalt  }
0x58: {  	_ =	shalt  }
0x59: {  	_ =	shalt  }
0x5a: {  	_ =	shalt  }
0x5b: {  	_ =	shalt  }
0x5c: {  	_ =	shalt  }
0x5d: {  	_ =	shalt  }
0x5e: {  	_ =	shalt  }
0x5f: {  	_ =	shalt  }
0x60: {  	_ =	shalt  }
0x61: {  	_ =	shalt  }
0x62: {  	_ =	shalt  }
0x63: {  	_ =	shalt  }
0x64: {  	_ =	shalt  }
0x65: {  	_ =	shalt  }
0x66: {  	_ =	shalt  }
0x67: {  	_ =	shalt  }
0x68: {  	_ =	shalt  }
0x69: {  	_ =	shalt  }
0x6a: {  	_ =	shalt  }
0x6b: {  	_ =	shalt  }
0x6c: {  	_ =	shalt  }
0x6d: {  	_ =	shalt  }
0x6e: {  	_ =	shalt  }
0x6f: {  	_ =	shalt  }
0x70: {  	_ =	shalt  }
0x71: {  	_ =	shalt  }
0x72: {  	_ =	shalt  }
0x73: {  	_ =	shalt  }
0x74: {  	_ =	shalt  }
0x75: {  	_ =	shalt  }
0x76: {  	_ =	shalt  }
0x77: {  	_ =	shalt  }
0x78: {  	_ =	shalt  }
0x79: {  	_ =	shalt  }
0x7a: {  	_ =	shalt  }
0x7b: {  	_ =	shalt  }
0x7c: {  	_ =	shalt  }
0x7d: {  	_ =	shalt  }
0x7e: {  	_ =	shalt  }
0x7f: {  	_ =	shalt  }
0x80: {  	_ =	shalt  }
0x81: {  	_ =	shalt  }
0x82: {  	_ =	shalt  }
0x83: {  	_ =	shalt  }
0x84: {  	_ =	shalt  }
0x85: {  	_ =	shalt  }
0x86: {  	_ =	shalt  }
0x87: {  	_ =	shalt  }
.Lfunc_end0:
.L_simem_size_0:
called_computation_lowered:
.L_overlay_start_0:
0x88: {  	s2 =	sld [smem:$0x3FD9]  }
0x89: {  	s3 =	sld [smem:$0x3FFE];
	_ =	sdelay $0x1  }
0x8a: {  	s1 =	srdreg.scid  }
0x8b: {  	s0 =	sand.u32 $0x1, s1  }
0x8c: {  	s17 =	sshll.u32 s0, $0xA;
	s2 =	sadd.s32 s3, s2  }
0x8d: {  	s2 =	sadd.s32 s2, s17  }
0x8e: {  	[smem:$0x3FC5] =	sst s2  }
0x8f: {  	_ = 	snop  }
0x90: {  	s2 =	sld [smem:$0x3FD0];
	(tm) =	ssettm $0x1  }
0x91: {  	s18 =	sld [smem:$0x3FFB];
	_ =	sdelay $0x3  }
0x92: {  	_ =	strace s18  }
0x93: {  	s3 =	sld [smem:$0x3FFC];
	_ =	sdelay $0x3  }
0x94: {  	_ =	strace s3  }
0x95: {  	s3 =	sld [smem:$0x3FFD];
	_ =	sdelay $0x3  }
0x96: {  	_ =	strace s3  }
0x97: {  	_ =	strace $0x8FFFFFFF  }
0x98: {  	s19 =	sld [smem:$0x3FDB];
	_ =	sdelay $0x1  }
0x99: {  	s4 =	simm.s32 $_scs_section_size  }
0x9a: {  	s5 =	simm.s32 $_size__tile_overlayer_lowered;
	s6 =	simm.s32 $_tile_overlayer_lowered  }
0x9b: {  	s22 =	simm.s32 $0x1BFF;
	s21 =	sshll.u32 s6, $0x1;
	s3 =	sadd.s32 s4, s19  }
0x9c: {  	s7 =	simm.s32 $0x0;
	s20 =	sshll.u32 s5, $0x1;
	s5 =	sadd.s32 s21, s3  }
0x9d: {  	[timem:s7], [sflag:s22] =	dma.local [hbm:s5], s20  }
0x9e: {  	_ =	swait.ge [sflag:s22], s20  }
0x9f: {  	s4 =	ssub.s32 $0x0, s20;
	[sflag:s22] =	ssyncset.done $0x0  }
0xa0: {  	[sflag:s22] =	ssyncadd.s32 s4;
	_ =	sdelay $0x1  }
0xa1: {  	s23 =	simm.s32 $0x1B8B  }
0xa2: {  	_ =	swait.ge [sflag:s23], $0x1  }
0xa3: {  	[sflag:s23] =	ssyncset.done $0x0  }
0xa4: {  	s25 =	simm.s32 $0x1B8E;
	s24 =	sld [smem:$0x3FFE];
	[sflag:s23] =	ssyncadd.s32 $0xFFFFFFFF  }
0xa5: {  	s26 =	simm.s32 $execute0_lowered;
	[smem:$0x3FD2] =	sst s25  }
0xa6: {  	s5 =	sshll.u32 s26, $0x1;
	_ =	strace $0x80000046;
	[dreg:$0x1] =	wrdreg $0xFFFFFFFF  }
0xa7: {  	s28 =	simm.s32 $_size_execute0_lowered;
	s3 =	sadd.s32 s3, s5;
	[dreg:$0x0] =	wrdreg $0x0  }
0xa8: {  	s5 =	sshll.u32 s28, $0x1;
	[dreg:$0x2] =	wrdreg s3  }
0xa9: {  	[dreg:$0x3] =	wrdreg s5  }
0xaa: {  	[dreg:$0x4] =	wrdreg $0xC0  }
0xab: {  	_ =	task [dreg:s7], $0x5FFFF  }
0xac: {  	[dreg:$0x1] =	wrdreg $0xFFFFFFFF  }
0xad: {  	[dreg:$0x0] =	wrdreg $0x60  }
0xae: {  	[dreg:$0x2] =	wrdreg s2  }
0xaf: {  	[dreg:$0x3] =	wrdreg s24  }
0xb0: {  	[dreg:$0x4] =	wrdreg $0x9  }
0xb1: {  	_ =	task.clear_ibuf [dreg:s7], $0x5FFFF;
	_ =	strace $0x90000046  }
0xb2: {  	s29 =	simm.s32 $0x9;
	_ =	strace $0x80000048  }
0xb3: {  	_ =	swait.ge [sflag:s29], $0x1  }
0xb4: {  	[sflag:s29] =	ssyncadd.s32 $0xFFFFFFFF  }
0xb5: {  	_ =	strace $0x90000048  }
0xb6: {  	_ =	sfence  }
0xb7: {  	s30 =	sld [smem:$0x0];
	_ =	sdelay $0x2  }
0xb8: {  	s31 =	sshll.u32 s1, $0xD;
	s1 =	sshrl.u32 s1, $0x2  }
0xb9: {  	s3 =	sand.u32 $0x4000, s31;
	s1 =	sadd.s32 s1, s30  }
0xba: {  	s0 =	sor.u32 s3, s0;
	s1 =	sshll.u32 s1, $0x11  }
0xbb: {  	s0 =	sor.u32 s1, s0  }
0xbc: {  	s0 =	sadd.s32 $0x8F2B, s0  }
0xbd: {  	[sflag:s0] =	ssyncadd.remote.s32 $0x1  }
0xbe: {  	_ =	sfence.sel $0xFFFF  }
0xbf: {  	[dreg:$0x0] =	wrdreg $0xFFFFFFFF;
	(pc) =	sbr.abs _section_cstart, $3  }
0xc0: {  	[dreg:$0x1] =	wrdreg $0xFFFFFFFF  }
0xc1: {  	_ =	task.clear_ibuf [dreg:s7], $0x2FFFF;
	_ =	strace $0x9FFFFFFF  }
0xc2: {  	(tm) =	ssettm $0x7FFFFFFF  }
0xc3: {  	_ =	shalt  }
tec
execute0_lowered:
.L_overlay_start_1:
0x0: {  	(tag) =	ssettag $0x1  }
0x1: {  	s1 =	srdreg.scid;
	s0 =	stileid.u32  }
0x2: {  	s17 =	sand.u32 $0x1, s1;
	s31 =	sshll.u32 s0, $0x1  }
0x3: {  	s2 =	rddreg [dreg:$0x0];
	s12 =	sor.u32 s17, s31  }
0x4: {  	s9 =	rddreg [dreg:$0x1];
	s3 =	simm.s32 $0x0;
	s4 =	smul.u32 $0xC8, s12  }
0x5: {  	s5 =	simm.s32 $0x5;
	[smem:$0x7FF] =	sst s3  }
0x6: {  	s1 =	rddreg [dreg:$0x2];
	_ =	strace $0x80000047;
	s4 =	sadd.s32 s9, s4  }
0x7: {  	[tilespmem:s3], [sflag:$0x5] =	stream.linear.gather [hbm4b:s4+s3], $0x640, $0x38;
	[tilespmem:$0x19680] =	vst v63  }
0x8: {  	_ =	swait.ge [sflag:s5], $0x640  }
0x9: {  	s6 =	simm.s32 $0x190;
	[sflag:s5] =	ssyncset.done $0x0  }
0xa: {  	s7 =	simm.s32 $0x680;
	s8 =	simm.s32 $0x1;
	[sflag:s5] =	ssyncadd.s32 $0xFFFFF9C0  }
0xb: {  	[tilespmem:s7], [sflag:$0x1] =	stream.indirect.gather [hbm4b:s2+s6], $0x80, s3, s6, $0xb8;
	[tilespmem:$0x19680] =	vst v63  }
0xc: {  	_ =	swait.ge [sflag:s8], $0xC800  }
0xd: {  	s13 =	sadd.s32 $0x1A00, s9;
	[sflag:s8] =	ssyncset.done $0x0  }
0xe: {  	s10 =	smul.u32 $0x6400, s12;
	s9 =	simm.s32 $0xCE80;
	[sflag:s8] =	ssyncadd.s32 $0xFFFF3800  }
0xf: {  	[tilespmem:s9], [sflag:$0x2] =	stream.indirect.gather [hbm4b:s2+s6], $0x80, s6, s6, $0xb8;
	[tilespmem:$0x19680] =	vst v63  }
0x10: {  	s11 =	simm.s32 $0x2;
	s10 =	sadd.s32 s13, s10  }
0x11: {  	[hbm4b:s10+s3] =	stream.linear.scatter [tilespmem:s7], [sflag:$0x3], $0xC800, $0x38;
	[tilespmem:$0x19680] =	vst v63  }
0x12: {  	_ =	swait.ge [sflag:s11], $0xC800  }
0x13: {  	[sflag:s11] =	ssyncset.done $0x0  }
0x14: {  	s14 =	smul.u32 $0x32000, s12;
	s12 =	simm.s32 $0x3;
	[sflag:s11] =	ssyncadd.s32 $0xFFFF3800  }
0x15: {  	_ =	swait.ge [sflag:s12], $0xC800  }
0x16: {  	s14 =	sshrl.u32 s14, $0x3;
	[sflag:s12] =	ssyncset.done $0x0  }
0x17: {  	s18 =	sadd.s32 s13, s14;
	s13 =	simm.s32 $0x320;
	[sflag:s12] =	ssyncadd.s32 $0xFFFF3800  }
0x18: {  	[tilespmem:s7], [sflag:$0x1] =	stream.indirect.gather [hbm4b:s2+s6], $0x80, s13, s6, $0xb8;
	[tilespmem:$0x19680] =	vst v63  }
0x19: {  	s14 =	sadd.s32 $0x1900, s18  }
0x1a: {  	[hbm4b:s14+s3] =	stream.linear.scatter [tilespmem:s9], [sflag:$0x4], $0xC800, $0x38;
	[tilespmem:$0x19680] =	vst v63  }
0x1b: {  	_ =	swait.ge [sflag:s8], $0xC800  }
0x1c: {  	[sflag:s8] =	ssyncset.done $0x0  }
0x1d: {  	s15 =	simm.s32 $0x4;
	[sflag:s8] =	ssyncadd.s32 $0xFFFF3800  }
0x1e: {  	s19 =	ssub.s32 $0x2, s17;
	_ =	swait.ge [sflag:s15], $0xC800  }
0x1f: {  	s20 =	sshrl.u32 s19, $0x1;
	[sflag:s15] =	ssyncset.done $0x0  }
0x20: {  	s16 =	simm.s32 $0x4B0;
	s19 =	ssub.s32 s19, s20;
	[sflag:s15] =	ssyncadd.s32 $0xFFFF3800  }
0x21: {  	[tilespmem:s9], [sflag:$0x2] =	stream.indirect.gather [hbm4b:s2+s6], $0x80, s16, s6, $0xb8;
	[tilespmem:$0x19680] =	vst v63  }
0x22: {  	s19 =	smax.u32 s19, $0x1;
	s17 =	sadd.s32 $0x3200, s18  }
0x23: {  	[hbm4b:s17+s3] =	stream.linear.scatter [tilespmem:s7], [sflag:$0x3], $0xC800, $0x38;
	[tilespmem:$0x19680] =	vst v63  }
0x24: {  	p0 =	sne.s32 s19, $0x1;
	_ =	swait.ge [sflag:s11], $0xC800  }
.Ltmp0:
0x25: {  	[sflag:s11] =	ssyncset.done $0x0;
	(pc) =	sbr.rel @!p0 .LBB2_2-.Ltmp0, $4  }
0x26: {  	s18 =	sadd.s32 $0x4B00, s18;
	[sflag:s11] =	ssyncadd.s32 $0xFFFF3800  }
0x27: {  	[hbm4b:s18+s3] =	stream.linear.scatter [tilespmem:s9], [sflag:$0x4], $0xC800, $0x38;
	[tilespmem:$0x19680] =	vst v63  }
0x28: {  	_ =	swait.ge [sflag:s15], $0xC800  }
0x29: {  	s19 =	sadd.s32 $0xFFFFFFFF, s19;
	[sflag:s15] =	ssyncset.done $0x0  }
.LBB2_1:
0x2a: {  	p0 =	sne.s32 s19, $0x1;
	s19 =	sadd.s32 $0xFFFFFFFF, s19;
	[sflag:s15] =	ssyncadd.s32 $0xFFFF3800  }
0x2b: {  	[tilespmem:s3], [sflag:$0x5] =	stream.linear.gather [hbm4b:s4+s3], $0x640, $0x38;
	[tilespmem:$0x19680] =	vst v63  }
0x2c: {  	_ =	swait.ge [sflag:s5], $0x640  }
0x2d: {  	[sflag:s5] =	ssyncset.done $0x0  }
0x2e: {  	[sflag:s5] =	ssyncadd.s32 $0xFFFFF9C0  }
0x2f: {  	[tilespmem:s7], [sflag:$0x1] =	stream.indirect.gather [hbm4b:s2+s6], $0x80, s3, s6, $0xb8;
	[tilespmem:$0x19680] =	vst v63  }
0x30: {  	_ =	swait.ge [sflag:s8], $0xC800  }
0x31: {  	[sflag:s8] =	ssyncset.done $0x0  }
0x32: {  	[sflag:s8] =	ssyncadd.s32 $0xFFFF3800  }
0x33: {  	[tilespmem:s9], [sflag:$0x2] =	stream.indirect.gather [hbm4b:s2+s6], $0x80, s6, s6, $0xb8;
	[tilespmem:$0x19680] =	vst v63  }
0x34: {  	_ = 	snop  }
0x35: {  	[hbm4b:s10+s3] =	stream.linear.scatter [tilespmem:s7], [sflag:$0x3], $0xC800, $0x38;
	[tilespmem:$0x19680] =	vst v63  }
0x36: {  	_ =	swait.ge [sflag:s11], $0xC800  }
0x37: {  	[sflag:s11] =	ssyncset.done $0x0  }
0x38: {  	[sflag:s11] =	ssyncadd.s32 $0xFFFF3800  }
0x39: {  	_ =	swait.ge [sflag:s12], $0xC800  }
0x3a: {  	[sflag:s12] =	ssyncset.done $0x0  }
0x3b: {  	[sflag:s12] =	ssyncadd.s32 $0xFFFF3800  }
0x3c: {  	[tilespmem:s7], [sflag:$0x1] =	stream.indirect.gather [hbm4b:s2+s6], $0x80, s13, s6, $0xb8;
	[tilespmem:$0x19680] =	vst v63  }
0x3d: {  	_ = 	snop  }
0x3e: {  	[hbm4b:s14+s3] =	stream.linear.scatter [tilespmem:s9], [sflag:$0x4], $0xC800, $0x38;
	[tilespmem:$0x19680] =	vst v63  }
0x3f: {  	_ =	swait.ge [sflag:s8], $0xC800  }
0x40: {  	[sflag:s8] =	ssyncset.done $0x0  }
0x41: {  	[sflag:s8] =	ssyncadd.s32 $0xFFFF3800  }
0x42: {  	_ =	swait.ge [sflag:s15], $0xC800  }
0x43: {  	[sflag:s15] =	ssyncset.done $0x0  }
0x44: {  	[sflag:s15] =	ssyncadd.s32 $0xFFFF3800  }
0x45: {  	[tilespmem:s9], [sflag:$0x2] =	stream.indirect.gather [hbm4b:s2+s6], $0x80, s16, s6, $0xb8;
	[tilespmem:$0x19680] =	vst v63  }
0x46: {  	_ = 	snop  }
0x47: {  	[hbm4b:s17+s3] =	stream.linear.scatter [tilespmem:s7], [sflag:$0x3], $0xC800, $0x38;
	[tilespmem:$0x19680] =	vst v63  }
0x48: {  	_ =	swait.ge [sflag:s11], $0xC800  }
.Ltmp1:
0x49: {  	[sflag:s11] =	ssyncset.done $0x0;
	(pc) =	sbr.rel @p0 .LBB2_1-.Ltmp1, $4  }
0x4a: {  	[sflag:s11] =	ssyncadd.s32 $0xFFFF3800  }
0x4b: {  	[hbm4b:s18+s3] =	stream.linear.scatter [tilespmem:s9], [sflag:$0x4], $0xC800, $0x38;
	[tilespmem:$0x19680] =	vst v63  }
0x4c: {  	_ =	swait.ge [sflag:s15], $0xC800  }
0x4d: {  	[sflag:s15] =	ssyncset.done $0x0  }
.LBB2_2:
0x4e: {  	[sflag:s15] =	ssyncadd.s32 $0xFFFF3800  }
0x4f: {  	_ =	sfence.sel $0x180000  }
0x50: {  	[bflag:$0x0] =	sbarrier.arrive $0xFFFF  }
0x51: {  	p0 =	sne.s32 s0, $0x0;
	_ =	strace $0x90000047  }
0x52: {  	s0 =	sadd.s32 @!p0 $0x100000, s1;
	[bflag:$0x2] =	sbarrier.arrive $0xFFFF  }
0x53: {  	[sflag:s0] =	ssyncadd.tile.s32 @!p0 $0x1;
	_ =	shalt  }
.Lfunc_end2:
_tile_overlayer_lowered:
.L_overlay_start_2:
0x54: {  	(tag) =	ssettag $0x2  }
0x55: {  	s0 =	rddreg [dreg:$0x0];
	s2 =	stileid.u32  }
0x56: {  	s1 =	rddreg [dreg:$0x1];
	p0 =	sne.s32 s2, $0x0  }
0x57: {  	s3 =	rddreg [dreg:$0x2];
	[bflag:$0x3] =	sbarrier.arrive $0xFFFF;
	s2 =	simm.s32 @!p0 $0x1C05  }
0x58: {  	[timem:s3], [sflag:s2] =	dma.local @!p0 [hbm:s0], s1  }
0x59: {  	s0 =	simm.s32 @!p0 $0x5  }
0x5a: {  	_ =	swait.ge @!p0 [sflag:s0], s1  }
0x5b: {  	s1 =	ssub.s32 @!p0 $0x0, s1;
	[sflag:s0] =	ssyncset.done @!p0 $0x0  }
0x5c: {  	[sflag:s0] =	ssyncadd.s32 @!p0 s1  }
0x5d: {  	[bflag:$0x3] =	sbarrier.arrive $0xFFFF  }
0x5e: {  	_ =	shalt  }

</sc_bundles>
